<compile_context>
chip_gen: v7x
topology: tpu7x:2x2x1
jax: 0.10.2.dev20260603
libtpu: 0.0.44.dev20260713+nightly
codegen_flags: <defaults>
</compile_context>

<pallas_src>
import jax
import jax.numpy as jnp
from jax.experimental import pallas as pl
from jax.experimental.pallas import tpu as pltpu

_E = 3
_Q, _NC = 100, 92


def _fused_kernel(s_ref, w1_ref, b1_ref, w2_ref, b2_ref, wl_ref,
                  bl_ref, pw_ref, pb_ref, probs_ref, choice_ref, h_ref,
                  sc_ref, sp_ref):
    s = s_ref[0]
    y = jnp.maximum(s[0:96, 0:96, 0:16].reshape(9216, 16) + b1_ref[...], 0.0)

    g = jnp.broadcast_to(jnp.max(y), (1, 32))
    rl = jnp.dot(g, wl_ref[...], preferred_element_type=jnp.float32) + bl_ref[...]
    m = jnp.max(rl)
    ex = jnp.exp(rl - m)
    probs_ref[0] = ex / jnp.sum(ex)
    e = jnp.argmax(rl).astype(jnp.int32)
    choice_ref[...] = jnp.broadcast_to(e, (1, 1, 1))

    h_ref[0] = jnp.broadcast_to(jnp.sum(g) + e.astype(jnp.float32), (1, 192))


def _heads_kernel(h_ref, ch_ref, cw_ref, cb_ref, bw_ref, bb_ref, lo_ref,
                  bo_ref, acc_ref):
    e = pl.program_id(0)
    mask = (ch_ref[...] == e).astype(jnp.float32)
    hm = h_ref[...] * mask
    lo = jnp.dot(hm, cw_ref[0], preferred_element_type=jnp.float32) + mask * cb_ref[0]
    bo = jnp.dot(hm, bw_ref[0], preferred_element_type=jnp.float32) + mask * bb_ref[0]

    @pl.when(e == 0)
    def _():
        lo_ref[...] = lo
        acc_ref[...] = bo

    @pl.when(e > 0)
    def _():
        lo_ref[...] += lo
        acc_ref[...] += bo

    @pl.when(e == _E - 1)
    def _():
        bo_ref[...] = jax.nn.sigmoid(acc_ref[...])


def kernel(pixel_values, router_w1, router_b1, router_w2, router_b2,
           router_wl, router_bl, expert_patch_w, expert_patch_b,
           expert_cls_w, expert_cls_b, expert_box_w, expert_box_b):
    B = pixel_values.shape[0]

    eps = router_bl[0] * 0.0
    S = pixel_values.reshape(B, 3, 96, 4, 96, 4).transpose(
        0, 2, 4, 1, 3, 5).reshape(B, 96, 96, 48) + eps

    w1c = jnp.pad(router_w1, ((0, 0), (0, 0), (1, 0), (1, 0))).reshape(
        16, 3, 2, 4, 2, 4).transpose(2, 4, 1, 3, 5, 0).reshape(192, 16)
    w2c = jnp.pad(router_w2, ((0, 0), (0, 0), (0, 1), (0, 1))).reshape(
        32, 16, 3, 2, 3, 2).transpose(2, 4, 3, 5, 1, 0).reshape(576, 32)
    wlT = router_wl.T
    pwt = expert_patch_w.reshape(_E, 192, 3, 4, 4, 4, 4).transpose(
        0, 3, 5, 2, 4, 6, 1).reshape(_E, 768, 192)

    probs, choice, H = pl.pallas_call(
        _fused_kernel,
        grid=(B,),
        in_specs=[
            pl.BlockSpec((1, 96, 96, 48), lambda b: (b, 0, 0, 0)),
            pl.BlockSpec((192, 16), lambda b: (0, 0)),
            pl.BlockSpec((1, 16), lambda b: (0, 0)),
            pl.BlockSpec((576, 32), lambda b: (0, 0)),
            pl.BlockSpec((1, 32), lambda b: (0, 0)),
            pl.BlockSpec((32, 3), lambda b: (0, 0)),
            pl.BlockSpec((1, 3), lambda b: (0, 0)),
            pl.BlockSpec((_E, 768, 192), lambda b: (0, 0, 0)),
            pl.BlockSpec((_E, 192), lambda b: (0, 0)),
        ],
        out_specs=[
            pl.BlockSpec((1, 1, 3), lambda b: (b, 0, 0)),
            pl.BlockSpec((1, 1, 1), lambda b: (b, 0, 0)),
            pl.BlockSpec((1, 1, 192), lambda b: (b, 0, 0)),
        ],
        out_shape=[
            jax.ShapeDtypeStruct((B, 1, 3), jnp.float32),
            jax.ShapeDtypeStruct((B, 1, 1), jnp.int32),
            jax.ShapeDtypeStruct((B, 1, 192), jnp.float32),
        ],
        scratch_shapes=[pltpu.VMEM((14, 2, 14, 2, 16), jnp.float32),
                        pltpu.VMEM((97, 97, 48), jnp.float32)],
    )(S, w1c, router_b1.reshape(1, 16), w2c, router_b2.reshape(1, 32),
      wlT, router_bl.reshape(1, 3), pwt, expert_patch_b)

    Hm = H.reshape(B, 192)
    ch = choice.reshape(B, 1)

    logits, boxes = pl.pallas_call(
        _heads_kernel,
        grid=(_E,),
        in_specs=[
            pl.BlockSpec((B, 192), lambda e: (0, 0)),
            pl.BlockSpec((B, 1), lambda e: (0, 0)),
            pl.BlockSpec((1, 192, _Q * _NC), lambda e: (e, 0, 0)),
            pl.BlockSpec((1, 1, _Q * _NC), lambda e: (e, 0, 0)),
            pl.BlockSpec((1, 192, _Q * 4), lambda e: (e, 0, 0)),
            pl.BlockSpec((1, 1, _Q * 4), lambda e: (e, 0, 0)),
        ],
        out_specs=[
            pl.BlockSpec((B, _Q * _NC), lambda e: (0, 0)),
            pl.BlockSpec((B, _Q * 4), lambda e: (0, 0)),
        ],
        out_shape=[
            jax.ShapeDtypeStruct((B, _Q * _NC), jnp.float32),
            jax.ShapeDtypeStruct((B, _Q * 4), jnp.float32),
        ],
        scratch_shapes=[pltpu.VMEM((B, _Q * 4), jnp.float32)],
    )(Hm, ch, expert_cls_w, expert_cls_b.reshape(_E, 1, _Q * _NC),
      expert_box_w, expert_box_b.reshape(_E, 1, _Q * 4))

    batch_logits = logits.reshape(B, _Q, _NC)
    batch_pred_boxes = boxes.reshape(B, _Q, 4)
    routing_probs = probs.reshape(B, _E)
    expert_choices = choice.reshape(B)
    return batch_logits, batch_pred_boxes, routing_probs, expert_choices

# --- scband reference (transcript-rebuilt; emitter-appended) ---
"""Pipeline reference for scband-image-router-mo-e-72430328479812 (READ-ONLY COPY).

The authoritative reference and input builder live on the scoring server;
editing this copy changes nothing except your own understanding.
"""

import jax, jax.numpy as jnp
import numpy as np


def _conv2d(x, w, b, stride, pad):
    out = jax.lax.conv_general_dilated(x, w, window_strides=(stride, stride), padding=[(pad, pad), (pad, pad)], dimension_numbers=('NCHW', 'OIHW', 'NCHW'))
    return out + b[None, :, None, None]


def _router(x, w1, b1, w2, b2, wl, bl):
    h = jax.nn.relu(_conv2d(x, w1, b1, 4, 3))
    h = jax.lax.reduce_window(h, -jnp.inf, jax.lax.max, (1, 1, 4, 4), (1, 1, 4, 4), 'VALID')
    h = jax.nn.relu(_conv2d(h, w2, b2, 2, 2))
    h = jnp.mean(h, axis=(2, 3))
    return h @ wl.T + bl


def _expert(x, pw, pb, cw, cb, bw, bb, num_queries, num_classes):
    h = jax.nn.relu(_conv2d(x, pw, pb, 16, 0))
    h = jnp.mean(h, axis=(2, 3))
    logits = (h @ cw + cb).reshape(x.shape[0], num_queries, num_classes)
    boxes = jax.nn.sigmoid(h @ bw + bb).reshape(x.shape[0], num_queries, 4)
    return logits, boxes


def setup_inputs(seed: int = 0):
    key = jax.random.key(seed)
    ks = jax.random.split(key, 8)
    B, H, W = 32, 384, 384
    E, C, Q, NC = 3, 192, 100, 92
    sc = 0.05
    return {
        'pixel_values': jax.random.normal(ks[0], (B, 3, H, W), dtype=jnp.float32),
        'router_w1': jax.random.normal(ks[1], (16, 3, 7, 7), dtype=jnp.float32) * sc,
        'router_b1': jnp.zeros((16,), dtype=jnp.float32),
        'router_w2': jax.random.normal(ks[2], (32, 16, 5, 5), dtype=jnp.float32) * sc,
        'router_b2': jnp.zeros((32,), dtype=jnp.float32),
        'router_wl': jax.random.normal(ks[3], (3, 32), dtype=jnp.float32) * sc,
        'router_bl': jnp.zeros((3,), dtype=jnp.float32),
        'expert_patch_w': jax.random.normal(ks[4], (E, C, 3, 16, 16), dtype=jnp.float32) * sc,
        'expert_patch_b': jnp.zeros((E, C), dtype=jnp.float32),
        'expert_cls_w': jax.random.normal(ks[5], (E, C, Q * NC), dtype=jnp.float32) * sc,
        'expert_cls_b': jnp.zeros((E, Q * NC), dtype=jnp.float32),
        'expert_box_w': jax.random.normal(ks[6], (E, C, Q * 4), dtype=jnp.float32) * sc,
        'expert_box_b': jnp.zeros((E, Q * 4), dtype=jnp.float32),
    }


def reference(pixel_values, router_w1, router_b1, router_w2, router_b2, router_wl, router_bl, expert_patch_w, expert_patch_b, expert_cls_w, expert_cls_b, expert_box_w, expert_box_b):
    E = expert_patch_w.shape[0]
    Q, NC = 100, 92
    routing_logits = _router(pixel_values, router_w1, router_b1, router_w2, router_b2, router_wl, router_bl)
    routing_probs = jax.nn.softmax(routing_logits, axis=1)
    expert_choices = jnp.argmax(routing_probs, axis=1)
    logits_list, boxes_list = [], []
    for e in range(E):
        l, b = _expert(pixel_values, expert_patch_w[e], expert_patch_b[e], expert_cls_w[e], expert_cls_b[e], expert_box_w[e], expert_box_b[e], Q, NC)
        logits_list.append(l)
        boxes_list.append(b)
    all_logits = jnp.stack(logits_list, axis=0)
    all_boxes = jnp.stack(boxes_list, axis=0)
    onehot = jax.nn.one_hot(expert_choices, E, dtype=all_logits.dtype)
    batch_logits = jnp.einsum('be,ebqc->bqc', onehot, all_logits)
    batch_pred_boxes = jnp.einsum('be,ebqd->bqd', onehot, all_boxes)
    return batch_logits, batch_pred_boxes, routing_probs, expert_choices

if __name__ == "__main__":
    import jax
    _d = setup_inputs()
    print(jax.jit(kernel)(*tuple(_d.values())))

</pallas_src>

<mosaic_0001>
module attributes {stable_mosaic.version = 14 : i64} {
  func.func @_fused_kernel(%arg0: i32, %arg1: memref<1x96x96x48xf32, #tpu.memory_space<vmem>>, %arg2: memref<192x16xf32, #tpu.memory_space<vmem>>, %arg3: memref<1x16xf32, #tpu.memory_space<vmem>>, %arg4: memref<576x32xf32, #tpu.memory_space<vmem>>, %arg5: memref<1x32xf32, #tpu.memory_space<vmem>>, %arg6: memref<32x3xf32, #tpu.memory_space<vmem>>, %arg7: memref<1x3xf32, #tpu.memory_space<vmem>>, %arg8: memref<3x768x192xf32, #tpu.memory_space<vmem>>, %arg9: memref<3x192xf32, #tpu.memory_space<vmem>>, %arg10: memref<1x1x3xf32, #tpu.memory_space<vmem>>, %arg11: memref<1x1x1xi32, #tpu.memory_space<vmem>>, %arg12: memref<1x1x192xf32, #tpu.memory_space<vmem>>, %arg13: memref<14x2x14x2x16xf32, #tpu.memory_space<vmem>>, %arg14: memref<97x97x48xf32, #tpu.memory_space<vmem>>) attributes {dimension_semantics = [#tpu.dimension_semantics<arbitrary>], iteration_bounds = array<i64: 32>, scalar_prefetch = 0 : i64, scratch_operands = 2 : i64, tpu.core_type = #tpu.core_type<tc>, window_params = [{transform_indices = @transform_0, window_bounds = array<i64: 1, 96, 96, 48>}, {pipeline_mode = #tpu.pipeline_mode<synchronous>, transform_indices = @transform_1, window_bounds = array<i64: 192, 16>}, {pipeline_mode = #tpu.pipeline_mode<synchronous>, transform_indices = @transform_2, window_bounds = array<i64: 1, 16>}, {pipeline_mode = #tpu.pipeline_mode<synchronous>, transform_indices = @transform_3, window_bounds = array<i64: 576, 32>}, {pipeline_mode = #tpu.pipeline_mode<synchronous>, transform_indices = @transform_4, window_bounds = array<i64: 1, 32>}, {pipeline_mode = #tpu.pipeline_mode<synchronous>, transform_indices = @transform_5, window_bounds = array<i64: 32, 3>}, {pipeline_mode = #tpu.pipeline_mode<synchronous>, transform_indices = @transform_6, window_bounds = array<i64: 1, 3>}, {pipeline_mode = #tpu.pipeline_mode<synchronous>, transform_indices = @transform_7, window_bounds = array<i64: 3, 768, 192>}, {pipeline_mode = #tpu.pipeline_mode<synchronous>, transform_indices = @transform_8, window_bounds = array<i64: 3, 192>}, {transform_indices = @transform_9, window_bounds = array<i64: 1, 1, 3>}, {transform_indices = @transform_10, window_bounds = array<i64: 1, 1, 1>}, {transform_indices = @transform_11, window_bounds = array<i64: 1, 1, 192>}]} {
    %get3A = arith.constant 0 : index
    %get3A_0 = arith.constant 0 : index
    %get3A_1 = arith.constant 0 : index
    %get3A_2 = arith.constant 0 : index
    %get3A_3 = vector.load %arg1[%get3A, %get3A_0, %get3A_1, %get3A_2] : memref<1x96x96x48xf32, #tpu.memory_space<vmem>>, vector<1x96x96x48xf32>
    %get3A_4 = vector.shape_cast %get3A_3 : vector<1x96x96x48xf32> to vector<96x96x48xf32>
    %slice3A = vector.extract_strided_slice %get3A_4 {offsets = [0, 0, 0], sizes = [96, 96, 16], strides = [1, 1, 1]} : vector<96x96x48xf32> to vector<96x96x16xf32>
    %reshape3A = vector.shape_cast %slice3A : vector<96x96x16xf32> to vector<9216x16xf32>
    %get3A_5 = arith.constant 0 : index
    %get3A_6 = arith.constant 0 : index
    %get3A_7 = vector.load %arg3[%get3A_5, %get3A_6] : memref<1x16xf32, #tpu.memory_space<vmem>>, vector<1x16xf32>
    %add3A = vector.broadcast %get3A_7 : vector<1x16xf32> to vector<9216x16xf32>
    %add3A_8 = arith.addf %reshape3A, %add3A : vector<9216x16xf32>
    %max3A = arith.constant 0.000000e+00 : f32
    %max3A_9 = vector.broadcast %max3A : f32 to vector<9216x16xf32>
    %max3A_10 = arith.maximumf %add3A_8, %max3A_9 : vector<9216x16xf32>
    %reduce_max3A = vector.shape_cast %max3A_10 : vector<9216x16xf32> to vector<1x9216x16xf32>
    %reduce_max3A_11 = arith.constant dense<0xFF800000> : vector<1xf32>
    %reduce_max3A_12 = vector.multi_reduction <maximumf>, %reduce_max3A, %reduce_max3A_11 [1, 2] : vector<1x9216x16xf32> to vector<1xf32>
    %reduce_max3A_13 = vector.shape_cast %reduce_max3A_12 : vector<1xf32> to vector<1x1x1xf32>
    %reduce_max3A_14 = vector.extract %reduce_max3A_13[0, 0, 0] : f32 from vector<1x1x1xf32>
    %broadcast_in_dim3A = vector.broadcast %reduce_max3A_14 : f32 to vector<1x32xf32>
    %get3A_15 = arith.constant 0 : index
    %get3A_16 = arith.constant 0 : index
    %get3A_17 = vector.load %arg6[%get3A_15, %get3A_16] : memref<32x3xf32, #tpu.memory_space<vmem>>, vector<32x3xf32>
    %dot_general3A = arith.constant dense<0.000000e+00> : vector<1x3xf32>
    %dot_general3A_18 = tpu.matmul %broadcast_in_dim3A, %get3A_17, %dot_general3A {dimension_numbers = #tpu.dot_dimension_numbers<[1], [0], [0], [1], [0, 0, 1, 1], [], []>, transpose_lhs_hint = false} : vector<1x32xf32>, vector<32x3xf32>, vector<1x3xf32> -> vector<1x3xf32>
    %get3A_19 = arith.constant 0 : index
    %get3A_20 = arith.constant 0 : index
    %get3A_21 = vector.load %arg7[%get3A_19, %get3A_20] : memref<1x3xf32, #tpu.memory_space<vmem>>, vector<1x3xf32>
    %add3A_22 = arith.addf %dot_general3A_18, %get3A_21 : vector<1x3xf32>
    %reduce_max3A_23 = vector.shape_cast %add3A_22 : vector<1x3xf32> to vector<1x1x3xf32>
    %reduce_max3A_24 = arith.constant dense<0xFF800000> : vector<1xf32>
    %reduce_max3A_25 = vector.multi_reduction <maximumf>, %reduce_max3A_23, %reduce_max3A_24 [1, 2] : vector<1x1x3xf32> to vector<1xf32>
    %reduce_max3A_26 = vector.shape_cast %reduce_max3A_25 : vector<1xf32> to vector<1x1x1xf32>
    %reduce_max3A_27 = vector.extract %reduce_max3A_26[0, 0, 0] : f32 from vector<1x1x1xf32>
    %sub3A = vector.broadcast %reduce_max3A_27 : f32 to vector<1x3xf32>
    %sub3A_28 = arith.subf %add3A_22, %sub3A : vector<1x3xf32>
    %exp3A = math.exp %sub3A_28 : vector<1x3xf32>
    %reduce_sum3A = vector.shape_cast %exp3A : vector<1x3xf32> to vector<1x1x3xf32>
    %reduce_sum3A_29 = arith.constant dense<0.000000e+00> : vector<1xf32>
    %reduce_sum3A_30 = vector.multi_reduction <add>, %reduce_sum3A, %reduce_sum3A_29 [1, 2] : vector<1x1x3xf32> to vector<1xf32>
    %reduce_sum3A_31 = vector.shape_cast %reduce_sum3A_30 : vector<1xf32> to vector<1x1x1xf32>
    %reduce_sum3A_32 = vector.extract %reduce_sum3A_31[0, 0, 0] : f32 from vector<1x1x1xf32>
    %div3A = vector.broadcast %reduce_sum3A_32 : f32 to vector<1x3xf32>
    %div3A_33 = arith.divf %exp3A, %div3A : vector<1x3xf32>
    %swap3A = arith.constant 0 : index
    %swap3A_34 = arith.constant 0 : index
    %swap3A_35 = arith.constant 0 : index
    %swap3A_36 = vector.load %arg10[%swap3A, %swap3A_34, %swap3A_35] : memref<1x1x3xf32, #tpu.memory_space<vmem>>, vector<1x1x3xf32>
    %swap3A_37 = vector.shape_cast %swap3A_36 : vector<1x1x3xf32> to vector<1x3xf32>
    %swap3A_38 = vector.shape_cast %div3A_33 : vector<1x3xf32> to vector<1x1x3xf32>
    tpu.vector_store %arg10[%swap3A, %swap3A_34, %swap3A_35], %swap3A_38 {strides = array<i32>} : memref<1x1x3xf32, #tpu.memory_space<vmem>>, vector<1x1x3xf32>,
    %reshape3A_39 = vector.shape_cast %add3A_22 : vector<1x3xf32> to vector<3xf32>
    %argmax3A = vector.shape_cast %reshape3A_39 : vector<3xf32> to vector<1x3xf32>
    %argmax3A_40 = tpu.reduce_index %argmax3A {axis = 1 : i32, kind = #tpu.reduction_kind<arg_max>} : vector<1x3xf32> -> vector<1xi32>
    %argmax3A_41 = vector.extract %argmax3A_40[0] : i32 from vector<1xi32>
    %broadcast_in_dim3A_42 = vector.broadcast %argmax3A_41 : i32 to vector<1x1x1xi32>
    %swap3A_43 = arith.constant 0 : index
    %swap3A_44 = arith.constant 0 : index
    %swap3A_45 = arith.constant 0 : index
    %swap3A_46 = vector.load %arg11[%swap3A_43, %swap3A_44, %swap3A_45] : memref<1x1x1xi32, #tpu.memory_space<vmem>>, vector<1x1x1xi32>
    tpu.vector_store %arg11[%swap3A_43, %swap3A_44, %swap3A_45], %broadcast_in_dim3A_42 {strides = array<i32>} : memref<1x1x1xi32, #tpu.memory_space<vmem>>, vector<1x1x1xi32>,
    %reduce_sum3A_47 = vector.shape_cast %broadcast_in_dim3A : vector<1x32xf32> to vector<1x1x32xf32>
    %reduce_sum3A_48 = arith.constant dense<0.000000e+00> : vector<1xf32>
    %reduce_sum3A_49 = vector.multi_reduction <add>, %reduce_sum3A_47, %reduce_sum3A_48 [1, 2] : vector<1x1x32xf32> to vector<1xf32>
    %reduce_sum3A_50 = vector.shape_cast %reduce_sum3A_49 : vector<1xf32> to vector<1x1x1xf32>
    %reduce_sum3A_51 = vector.extract %reduce_sum3A_50[0, 0, 0] : f32 from vector<1x1x1xf32>
    %convert_element_type3A = arith.sitofp %argmax3A_41 : i32 to f32
    %add3A_52 = arith.addf %reduce_sum3A_51, %convert_element_type3A : f32
    %broadcast_in_dim3A_53 = vector.broadcast %add3A_52 : f32 to vector<1x192xf32>
    %swap3A_54 = arith.constant 0 : index
    %swap3A_55 = arith.constant 0 : index
    %swap3A_56 = arith.constant 0 : index
    %swap3A_57 = vector.load %arg12[%swap3A_54, %swap3A_55, %swap3A_56] : memref<1x1x192xf32, #tpu.memory_space<vmem>>, vector<1x1x192xf32>
    %swap3A_58 = vector.shape_cast %swap3A_57 : vector<1x1x192xf32> to vector<1x192xf32>
    %swap3A_59 = vector.shape_cast %broadcast_in_dim3A_53 : vector<1x192xf32> to vector<1x1x192xf32>
    tpu.vector_store %arg12[%swap3A_54, %swap3A_55, %swap3A_56], %swap3A_59 {strides = array<i32>} : memref<1x1x192xf32, #tpu.memory_space<vmem>>, vector<1x1x192xf32>,
    return
  }
  func.func @transform_0(%arg0: i32) -> (i32, i32, i32, i32) {
    %c0_i32 = arith.constant 0 : i32
    %c0_i32_0 = arith.constant 0 : i32
    %c0_i32_1 = arith.constant 0 : i32
    %c0_i32_2 = arith.constant 0 : i32
    return %arg0, %c0_i32, %c0_i32_0, %c0_i32_1 : i32, i32, i32, i32
  }
  func.func @transform_1(%arg0: i32) -> (i32, i32) {
    %c0_i32 = arith.constant 0 : i32
    %c0_i32_0 = arith.constant 0 : i32
    %c0_i32_1 = arith.constant 0 : i32
    return %c0_i32, %c0_i32_0 : i32, i32
  }
  func.func @transform_2(%arg0: i32) -> (i32, i32) {
    %c0_i32 = arith.constant 0 : i32
    %c0_i32_0 = arith.constant 0 : i32
    %c0_i32_1 = arith.constant 0 : i32
    return %c0_i32, %c0_i32_0 : i32, i32
  }
  func.func @transform_3(%arg0: i32) -> (i32, i32) {
    %c0_i32 = arith.constant 0 : i32
    %c0_i32_0 = arith.constant 0 : i32
    %c0_i32_1 = arith.constant 0 : i32
    return %c0_i32, %c0_i32_0 : i32, i32
  }
  func.func @transform_4(%arg0: i32) -> (i32, i32) {
    %c0_i32 = arith.constant 0 : i32
    %c0_i32_0 = arith.constant 0 : i32
    %c0_i32_1 = arith.constant 0 : i32
    return %c0_i32, %c0_i32_0 : i32, i32
  }
  func.func @transform_5(%arg0: i32) -> (i32, i32) {
    %c0_i32 = arith.constant 0 : i32
    %c0_i32_0 = arith.constant 0 : i32
    %c0_i32_1 = arith.constant 0 : i32
    return %c0_i32, %c0_i32_0 : i32, i32
  }
  func.func @transform_6(%arg0: i32) -> (i32, i32) {
    %c0_i32 = arith.constant 0 : i32
    %c0_i32_0 = arith.constant 0 : i32
    %c0_i32_1 = arith.constant 0 : i32
    return %c0_i32, %c0_i32_0 : i32, i32
  }
  func.func @transform_7(%arg0: i32) -> (i32, i32, i32) {
    %c0_i32 = arith.constant 0 : i32
    %c0_i32_0 = arith.constant 0 : i32
    %c0_i32_1 = arith.constant 0 : i32
    %c0_i32_2 = arith.constant 0 : i32
    return %c0_i32, %c0_i32_0, %c0_i32_1 : i32, i32, i32
  }
  func.func @transform_8(%arg0: i32) -> (i32, i32) {
    %c0_i32 = arith.constant 0 : i32
    %c0_i32_0 = arith.constant 0 : i32
    %c0_i32_1 = arith.constant 0 : i32
    return %c0_i32, %c0_i32_0 : i32, i32
  }
  func.func @transform_9(%arg0: i32) -> (i32, i32, i32) {
    %c0_i32 = arith.constant 0 : i32
    %c0_i32_0 = arith.constant 0 : i32
    %c0_i32_1 = arith.constant 0 : i32
    return %arg0, %c0_i32, %c0_i32_0 : i32, i32, i32
  }
  func.func @transform_10(%arg0: i32) -> (i32, i32, i32) {
    %c0_i32 = arith.constant 0 : i32
    %c0_i32_0 = arith.constant 0 : i32
    %c0_i32_1 = arith.constant 0 : i32
    return %arg0, %c0_i32, %c0_i32_0 : i32, i32, i32
  }
  func.func @transform_11(%arg0: i32) -> (i32, i32, i32) {
    %c0_i32 = arith.constant 0 : i32
    %c0_i32_0 = arith.constant 0 : i32
    %c0_i32_1 = arith.constant 0 : i32
    return %arg0, %c0_i32, %c0_i32_0 : i32, i32, i32
  }
}

module attributes {stable_mosaic.version = 14 : i64} {
  func.func @_heads_kernel(%arg0: i32, %arg1: memref<32x192xf32, #tpu.memory_space<vmem>>, %arg2: memref<32x1xi32, #tpu.memory_space<vmem>>, %arg3: memref<1x192x9200xf32, #tpu.memory_space<vmem>>, %arg4: memref<1x1x9200xf32, #tpu.memory_space<vmem>>, %arg5: memref<1x192x400xf32, #tpu.memory_space<vmem>>, %arg6: memref<1x1x400xf32, #tpu.memory_space<vmem>>, %arg7: memref<32x9200xf32, #tpu.memory_space<vmem>>, %arg8: memref<32x400xf32, #tpu.memory_space<vmem>>, %arg9: memref<32x400xf32, #tpu.memory_space<vmem>>) attributes {dimension_semantics = [#tpu.dimension_semantics<arbitrary>], iteration_bounds = array<i64: 3>, scalar_prefetch = 0 : i64, scratch_operands = 1 : i64, tpu.core_type = #tpu.core_type<tc>, window_params = [{pipeline_mode = #tpu.pipeline_mode<synchronous>, transform_indices = @transform_0, window_bounds = array<i64: 32, 192>}, {pipeline_mode = #tpu.pipeline_mode<synchronous>, transform_indices = @transform_1, window_bounds = array<i64: 32, 1>}, {transform_indices = @transform_2, window_bounds = array<i64: 1, 192, 9200>}, {transform_indices = @transform_3, window_bounds = array<i64: 1, 1, 9200>}, {transform_indices = @transform_4, window_bounds = array<i64: 1, 192, 400>}, {transform_indices = @transform_5, window_bounds = array<i64: 1, 1, 400>}, {pipeline_mode = #tpu.pipeline_mode<synchronous>, transform_indices = @transform_6, window_bounds = array<i64: 32, 9200>}, {pipeline_mode = #tpu.pipeline_mode<synchronous>, transform_indices = @transform_7, window_bounds = array<i64: 32, 400>}]} {
    %get3A = arith.constant 0 : index
    %get3A_0 = arith.constant 0 : index
    %get3A_1 = vector.load %arg2[%get3A, %get3A_0] : memref<32x1xi32, #tpu.memory_space<vmem>>, vector<32x1xi32>
    %eq3A = vector.broadcast %arg0 : i32 to vector<32x1xi32>
    %eq3A_2 = arith.cmpi eq, %get3A_1, %eq3A : vector<32x1xi32>
    %convert_element_type3A = arith.extui %eq3A_2 : vector<32x1xi1> to vector<32x1xi32>
    %convert_element_type3A_3 = arith.sitofp %convert_element_type3A : vector<32x1xi32> to vector<32x1xf32>
    %get3A_4 = arith.constant 0 : index
    %get3A_5 = arith.constant 0 : index
    %get3A_6 = vector.load %arg1[%get3A_4, %get3A_5] : memref<32x192xf32, #tpu.memory_space<vmem>>, vector<32x192xf32>
    %mul3A = vector.broadcast %convert_element_type3A_3 : vector<32x1xf32> to vector<32x192xf32>
    %mul3A_7 = arith.mulf %get3A_6, %mul3A : vector<32x192xf32>
    %get3A_8 = arith.constant 0 : index
    %get3A_9 = arith.constant 0 : index
    %get3A_10 = arith.constant 0 : index
    %get3A_11 = vector.load %arg3[%get3A_8, %get3A_9, %get3A_10] : memref<1x192x9200xf32, #tpu.memory_space<vmem>>, vector<1x192x9200xf32>
    %get3A_12 = vector.shape_cast %get3A_11 : vector<1x192x9200xf32> to vector<192x9200xf32>
    %dot_general3A = arith.constant dense<0.000000e+00> : vector<32x9200xf32>
    %dot_general3A_13 = tpu.matmul %mul3A_7, %get3A_12, %dot_general3A {dimension_numbers = #tpu.dot_dimension_numbers<[1], [0], [0], [1], [0, 0, 1, 1], [], []>, transpose_lhs_hint = false} : vector<32x192xf32>, vector<192x9200xf32>, vector<32x9200xf32> -> vector<32x9200xf32>
    %get3A_14 = arith.constant 0 : index
    %get3A_15 = arith.constant 0 : index
    %get3A_16 = arith.constant 0 : index
    %get3A_17 = vector.load %arg4[%get3A_14, %get3A_15, %get3A_16] : memref<1x1x9200xf32, #tpu.memory_space<vmem>>, vector<1x1x9200xf32>
    %get3A_18 = vector.shape_cast %get3A_17 : vector<1x1x9200xf32> to vector<1x9200xf32>
    %mul3A_19 = vector.broadcast %convert_element_type3A_3 : vector<32x1xf32> to vector<32x9200xf32>
    %mul3A_20 = vector.broadcast %get3A_18 : vector<1x9200xf32> to vector<32x9200xf32>
    %mul3A_21 = arith.mulf %mul3A_19, %mul3A_20 : vector<32x9200xf32>
    %add3A = arith.addf %dot_general3A_13, %mul3A_21 : vector<32x9200xf32>
    %get3A_22 = arith.constant 0 : index
    %get3A_23 = arith.constant 0 : index
    %get3A_24 = arith.constant 0 : index
    %get3A_25 = vector.load %arg5[%get3A_22, %get3A_23, %get3A_24] : memref<1x192x400xf32, #tpu.memory_space<vmem>>, vector<1x192x400xf32>
    %get3A_26 = vector.shape_cast %get3A_25 : vector<1x192x400xf32> to vector<192x400xf32>
    %dot_general3A_27 = arith.constant dense<0.000000e+00> : vector<32x400xf32>
    %dot_general3A_28 = tpu.matmul %mul3A_7, %get3A_26, %dot_general3A_27 {dimension_numbers = #tpu.dot_dimension_numbers<[1], [0], [0], [1], [0, 0, 1, 1], [], []>, transpose_lhs_hint = false} : vector<32x192xf32>, vector<192x400xf32>, vector<32x400xf32> -> vector<32x400xf32>
    %get3A_29 = arith.constant 0 : index
    %get3A_30 = arith.constant 0 : index
    %get3A_31 = arith.constant 0 : index
    %get3A_32 = vector.load %arg6[%get3A_29, %get3A_30, %get3A_31] : memref<1x1x400xf32, #tpu.memory_space<vmem>>, vector<1x1x400xf32>
    %get3A_33 = vector.shape_cast %get3A_32 : vector<1x1x400xf32> to vector<1x400xf32>
    %mul3A_34 = vector.broadcast %convert_element_type3A_3 : vector<32x1xf32> to vector<32x400xf32>
    %mul3A_35 = vector.broadcast %get3A_33 : vector<1x400xf32> to vector<32x400xf32>
    %mul3A_36 = arith.mulf %mul3A_34, %mul3A_35 : vector<32x400xf32>
    %add3A_37 = arith.addf %dot_general3A_28, %mul3A_36 : vector<32x400xf32>
    %eq3A_38 = arith.constant 0 : i32
    %eq3A_39 = arith.cmpi eq, %arg0, %eq3A_38 : i32
    %convert_element_type3A_40 = arith.extui %eq3A_39 : i1 to i32
    %cond3A = arith.constant 0 : i32
    %cond3A_41 = arith.cmpi ne, %convert_element_type3A_40, %cond3A : i32
    scf.if %cond3A_41 {
      %swap3A = arith.constant 0 : index
      %swap3A_51 = arith.constant 0 : index
      %swap3A_52 = vector.load %arg7[%swap3A, %swap3A_51] : memref<32x9200xf32, #tpu.memory_space<vmem>>, vector<32x9200xf32>
      tpu.vector_store %arg7[%swap3A, %swap3A_51], %add3A {strides = array<i32>} : memref<32x9200xf32, #tpu.memory_space<vmem>>, vector<32x9200xf32>,
      %swap3A_53 = arith.constant 0 : index
      %swap3A_54 = arith.constant 0 : index
      %swap3A_55 = vector.load %arg9[%swap3A_53, %swap3A_54] : memref<32x400xf32, #tpu.memory_space<vmem>>, vector<32x400xf32>
      tpu.vector_store %arg9[%swap3A_53, %swap3A_54], %add3A_37 {strides = array<i32>} : memref<32x400xf32, #tpu.memory_space<vmem>>, vector<32x400xf32>,
    } else {
    }
    %gt3A = arith.constant 0 : i32
    %gt3A_42 = arith.cmpi sgt, %arg0, %gt3A : i32
    %convert_element_type3A_43 = arith.extui %gt3A_42 : i1 to i32
    %cond3A_44 = arith.constant 0 : i32
    %cond3A_45 = arith.cmpi ne, %convert_element_type3A_43, %cond3A_44 : i32
    scf.if %cond3A_45 {
      %get3A_51 = arith.constant 0 : index
      %get3A_52 = arith.constant 0 : index
      %get3A_53 = vector.load %arg7[%get3A_51, %get3A_52] : memref<32x9200xf32, #tpu.memory_space<vmem>>, vector<32x9200xf32>
      %add3A_54 = arith.addf %get3A_53, %add3A : vector<32x9200xf32>
      %swap3A = arith.constant 0 : index
      %swap3A_55 = arith.constant 0 : index
      %swap3A_56 = vector.load %arg7[%swap3A, %swap3A_55] : memref<32x9200xf32, #tpu.memory_space<vmem>>, vector<32x9200xf32>
      tpu.vector_store %arg7[%swap3A, %swap3A_55], %add3A_54 {strides = array<i32>} : memref<32x9200xf32, #tpu.memory_space<vmem>>, vector<32x9200xf32>,
      %get3A_57 = arith.constant 0 : index
      %get3A_58 = arith.constant 0 : index
      %get3A_59 = vector.load %arg9[%get3A_57, %get3A_58] : memref<32x400xf32, #tpu.memory_space<vmem>>, vector<32x400xf32>
      %add3A_60 = arith.addf %get3A_59, %add3A_37 : vector<32x400xf32>
      %swap3A_61 = arith.constant 0 : index
      %swap3A_62 = arith.constant 0 : index
      %swap3A_63 = vector.load %arg9[%swap3A_61, %swap3A_62] : memref<32x400xf32, #tpu.memory_space<vmem>>, vector<32x400xf32>
      tpu.vector_store %arg9[%swap3A_61, %swap3A_62], %add3A_60 {strides = array<i32>} : memref<32x400xf32, #tpu.memory_space<vmem>>, vector<32x400xf32>,
    } else {
    }
    %eq3A_46 = arith.constant 2 : i32
    %eq3A_47 = arith.cmpi eq, %arg0, %eq3A_46 : i32
    %convert_element_type3A_48 = arith.extui %eq3A_47 : i1 to i32
    %cond3A_49 = arith.constant 0 : i32
    %cond3A_50 = arith.cmpi ne, %convert_element_type3A_48, %cond3A_49 : i32
    scf.if %cond3A_50 {
      %get3A_51 = arith.constant 0 : index
      %get3A_52 = arith.constant 0 : index
      %get3A_53 = vector.load %arg9[%get3A_51, %get3A_52] : memref<32x400xf32, #tpu.memory_space<vmem>>, vector<32x400xf32>
      %logistic3A = arith.negf %get3A_53 : vector<32x400xf32>
      %logistic3A_54 = math.exp %logistic3A : vector<32x400xf32>
      %logistic3A_55 = arith.constant 1.000000e+00 : f32
      %logistic3A_56 = vector.broadcast %logistic3A_55 : f32 to vector<32x400xf32>
      %logistic3A_57 = arith.addf %logistic3A_56, %logistic3A_54 : vector<32x400xf32>
      %logistic3A_58 = arith.divf %logistic3A_56, %logistic3A_57 : vector<32x400xf32>
      %swap3A = arith.constant 0 : index
      %swap3A_59 = arith.constant 0 : index
      %swap3A_60 = vector.load %arg8[%swap3A, %swap3A_59] : memref<32x400xf32, #tpu.memory_space<vmem>>, vector<32x400xf32>
      tpu.vector_store %arg8[%swap3A, %swap3A_59], %logistic3A_58 {strides = array<i32>} : memref<32x400xf32, #tpu.memory_space<vmem>>, vector<32x400xf32>,
    } else {
    }
    return
  }
  func.func @transform_0(%arg0: i32) -> (i32, i32) {
    %c0_i32 = arith.constant 0 : i32
    %c0_i32_0 = arith.constant 0 : i32
    %c0_i32_1 = arith.constant 0 : i32
    return %c0_i32, %c0_i32_0 : i32, i32
  }
  func.func @transform_1(%arg0: i32) -> (i32, i32) {
    %c0_i32 = arith.constant 0 : i32
    %c0_i32_0 = arith.constant 0 : i32
    %c0_i32_1 = arith.constant 0 : i32
    return %c0_i32, %c0_i32_0 : i32, i32
  }
  func.func @transform_2(%arg0: i32) -> (i32, i32, i32) {
    %c0_i32 = arith.constant 0 : i32
    %c0_i32_0 = arith.constant 0 : i32
    %c0_i32_1 = arith.constant 0 : i32
    return %arg0, %c0_i32, %c0_i32_0 : i32, i32, i32
  }
  func.func @transform_3(%arg0: i32) -> (i32, i32, i32) {
    %c0_i32 = arith.constant 0 : i32
    %c0_i32_0 = arith.constant 0 : i32
    %c0_i32_1 = arith.constant 0 : i32
    return %arg0, %c0_i32, %c0_i32_0 : i32, i32, i32
  }
  func.func @transform_4(%arg0: i32) -> (i32, i32, i32) {
    %c0_i32 = arith.constant 0 : i32
    %c0_i32_0 = arith.constant 0 : i32
    %c0_i32_1 = arith.constant 0 : i32
    return %arg0, %c0_i32, %c0_i32_0 : i32, i32, i32
  }
  func.func @transform_5(%arg0: i32) -> (i32, i32, i32) {
    %c0_i32 = arith.constant 0 : i32
    %c0_i32_0 = arith.constant 0 : i32
    %c0_i32_1 = arith.constant 0 : i32
    return %arg0, %c0_i32, %c0_i32_0 : i32, i32, i32
  }
  func.func @transform_6(%arg0: i32) -> (i32, i32) {
    %c0_i32 = arith.constant 0 : i32
    %c0_i32_0 = arith.constant 0 : i32
    %c0_i32_1 = arith.constant 0 : i32
    return %c0_i32, %c0_i32_0 : i32, i32
  }
  func.func @transform_7(%arg0: i32) -> (i32, i32) {
    %c0_i32 = arith.constant 0 : i32
    %c0_i32_0 = arith.constant 0 : i32
    %c0_i32_1 = arith.constant 0 : i32
    return %c0_i32, %c0_i32_0 : i32, i32
  }
}

</mosaic_0001>

<sc_bundles>
// kernel: sparse-core-data-format-call.1.cloned.1.call-start
scs
called_computation.1_lowered:
.L_overlay_start_0:
0x0: {  	s1 =	sld [smem:$0x3FD9]  }
0x1: {  	s2 =	sld [smem:$0x3FFE];
	_ =	sdelay $0x1  }
0x2: {  	s3 =	srdreg.scid  }
0x3: {  	s0 =	sand.u32 $0x1, s3  }
0x4: {  	s17 =	sshll.u32 s0, $0xA;
	s1 =	sadd.s32 s2, s1  }
0x5: {  	s1 =	sadd.s32 s1, s17  }
0x6: {  	[smem:$0x3FBB] =	sst s1  }
0x7: {  	_ = 	snop  }
0x8: {  	(tm) =	ssettm $0x1  }
0x9: {  	s18 =	sld [smem:$0x3FFB];
	_ =	sdelay $0x3  }
0xa: {  	_ =	strace s18  }
0xb: {  	s1 =	sld [smem:$0x3FFC];
	_ =	sdelay $0x3  }
0xc: {  	_ =	strace s1  }
0xd: {  	s1 =	sld [smem:$0x3FFD];
	_ =	sdelay $0x3  }
0xe: {  	_ =	strace s1  }
0xf: {  	_ =	strace $0x8FFFFFFF  }
0x10: {  	s19 =	sld [smem:$0x3FDB];
	_ =	sdelay $0x1  }
0x11: {  	s20 =	simm.s32 $_scs_section_size  }
0x12: {  	s4 =	simm.s32 $_size__tile_overlayer_lowered;
	s5 =	simm.s32 $_tile_overlayer_lowered  }
0x13: {  	s23 =	simm.s32 $0x1BFF;
	s22 =	sshll.u32 s5, $0x1;
	s1 =	sadd.s32 s20, s19  }
0x14: {  	s6 =	simm.s32 $0x0;
	s21 =	sshll.u32 s4, $0x1;
	s4 =	sadd.s32 s22, s1  }
0x15: {  	[timem:s6], [sflag:s23] =	dma.local [hbm:s4], s21  }
0x16: {  	_ =	swait.ge [sflag:s23], s21  }
0x17: {  	s2 =	ssub.s32 $0x0, s21;
	[sflag:s23] =	ssyncset.done $0x0  }
0x18: {  	[sflag:s23] =	ssyncadd.s32 s2;
	_ =	sdelay $0x1  }
0x19: {  	s24 =	simm.s32 $0x1B8B  }
0x1a: {  	_ =	swait.ge [sflag:s24], $0x1  }
0x1b: {  	[sflag:s24] =	ssyncset.done $0x0  }
0x1c: {  	s26 =	simm.s32 $0x1B8E;
	s25 =	sld [smem:$0x3FFE];
	[sflag:s24] =	ssyncadd.s32 $0xFFFFFFFF  }
0x1d: {  	s27 =	simm.s32 $execute0_lowered;
	[smem:$0x3FD2] =	sst s26  }
0x1e: {  	s4 =	sshll.u32 s27, $0x1;
	_ =	strace $0x80000046;
	[dreg:$0x1] =	wrdreg $0xFFFFFFFF  }
0x1f: {  	s28 =	simm.s32 $_size_execute0_lowered;
	s1 =	sadd.s32 s1, s4;
	[dreg:$0x0] =	wrdreg $0x0  }
0x20: {  	s4 =	sshll.u32 s28, $0x1;
	[dreg:$0x2] =	wrdreg s1  }
0x21: {  	[dreg:$0x3] =	wrdreg s4  }
0x22: {  	[dreg:$0x4] =	wrdreg $0xC0  }
0x23: {  	_ =	task [dreg:s6], $0x5FFFF  }
0x24: {  	[dreg:$0x1] =	wrdreg $0xFFFFFFFF  }
0x25: {  	[dreg:$0x0] =	wrdreg $0x60  }
0x26: {  	[dreg:$0x2] =	wrdreg s25  }
0x27: {  	[dreg:$0x3] =	wrdreg $0x9  }
0x28: {  	_ =	task.clear_ibuf [dreg:s6], $0x4FFFF;
	_ =	strace $0x90000046  }
0x29: {  	s29 =	simm.s32 $0x9;
	_ =	strace $0x80000048  }
0x2a: {  	_ =	swait.ge [sflag:s29], $0x1  }
0x2b: {  	[sflag:s29] =	ssyncadd.s32 $0xFFFFFFFF  }
0x2c: {  	_ =	strace $0x90000048  }
0x2d: {  	_ =	sfence  }
0x2e: {  	s30 =	sld [smem:$0x0];
	_ =	sdelay $0x2  }
0x2f: {  	s31 =	sshll.u32 s3, $0xD;
	s3 =	sshrl.u32 s3, $0x2  }
0x30: {  	s2 =	sand.u32 $0x4000, s31;
	s1 =	sadd.s32 s3, s30  }
0x31: {  	s0 =	sor.u32 s2, s0;
	s1 =	sshll.u32 s1, $0x11  }
0x32: {  	s0 =	sor.u32 s1, s0  }
0x33: {  	s0 =	sadd.s32 $0x8F2B, s0  }
0x34: {  	[sflag:s0] =	ssyncadd.remote.s32 $0x1  }
0x35: {  	_ =	sfence.sel $0xFFFF  }
0x36: {  	[dreg:$0x0] =	wrdreg $0xFFFFFFFF;
	(pc) =	sbr.abs _section_cstart, $3  }
0x37: {  	[dreg:$0x1] =	wrdreg $0xFFFFFFFF  }
0x38: {  	_ =	task.clear_ibuf [dreg:s6], $0x2FFFF;
	_ =	strace $0x9FFFFFFF  }
0x39: {  	(tm) =	ssettm $0x7FFFFFFF  }
tec
execute0_lowered:
.L_overlay_start_1:
0x0: {  	(tag) =	ssettag $0x1  }
0x1: {  	s0 =	srdreg.scid;
	s9 =	rddreg [dreg:$0x0];
	s6 =	simm.s32 $0x1  }
0x2: {  	s5 =	simm.s32 $0x1;
	s31 =	simm.s32 $0x2;
	s1 =	sshll.u32 s0, $0x4  }
0x3: {  	s20 =	simm.s32 $0x0;
	s0 =	stileid.u32;
	s1 =	sand.u32 $0x10, s1  }
0x4: {  	s11 =	simm.s32 $0x80;
	s18 =	simm.s32 $0x0;
	s1 =	sor.u32 s0, s1  }
0x5: {  	s19 =	simm.s32 $0x0;
	s17 =	simm.s32 $0x0;
	s2 =	sshll.u32 s1, $0x2  }
0x6: {  	s12 =	simm.s32 $0x0;
	s14 =	simm.s32 $0x0;
	s4 =	ssub.s32 $0x180, s2  }
0x7: {  	s15 =	simm.s32 $0x0;
	s16 =	simm.s32 $0x0;
	s3 =	sand.u32 $0x7C, s4  }
0x8: {  	s1 =	rddreg [dreg:$0x1];
	_ =	strace $0x80000047;
	p0 =	sne.s32 s3, $0x0  }
.Ltmp0:
0x9: {  	s7 =	sshrl.u32 s4, $0x7;
	s6 =	simm.s32 @!p0 $0x0;
	(pc) =	sbr.rel .LBB1_1-.Ltmp0, $4  }
0xa: {  	s8 =	sadd.s32 $0x1B4E00, s9;
	[sflag:s5] =	ssyncpa.u1 $0x0;
	s6 =	sadd.s32 s6, s7  }
0xb: {  	s13 =	smov.u32 s2;
	s4 =	sadd.s32 $0x1B1E00, s9;
	s6 =	smul.u32 $0x9, s6  }
0xc: {  	[sflag:s31] =	ssyncpa.u1 $0x0;
	s3 =	sadd.s32 $0x1E00, s9;
	p0 =	por $0x0, $0x0  }
0xd: {  	s7 =	sadd.s32 $0x1B3600, s9;
	s9 =	sadd.s32 $0x1B6600, s9;
	s10 =	sadd.s32 $0x1, s6  }
.LBB1_7:
0xe: {  	s21 =	sadd.s32 $0x80, s12  }
0xf: {  	s17 =	sadd.s32 $0x80, s13;
	s22 =	smov.u32 s13;
	p2 =	sgt.s32 s21, $0x17F  }
0x10: {  	s22 =	smov.u32 @p2 s17  }
0x11: {  	s17 =	simm.s32 $0x1;
	p3 =	sgt.s32 s22, $0x17F  }
0x12: {  	s17 =	simm.s32 @!p3 $0x0  }
0x13: {  	s23 =	sadd.s32 s17, s14  }
0x14: {  	s24 =	smov.u32 s15;
	s17 =	sadd.s32 $0x20, s15;
	p4 =	sgt.s32 s23, $0x2  }
0x15: {  	p1 =	slt.u32 s16, $0x2;
	s24 =	smov.u32 @p4 s17  }
0x16: {  	s20 =	smov.u32 s12;
	s21 =	simm.s32 @p2 $0x0;
	p2 =	sgt.s32 s24, $0x1F  }
0x17: {  	s25 =	simm.s32 @!p1 $0x2;
	s24 =	simm.s32 @p2 $0x0;
	p2 =	sne.s32 s16, s10  }
.Ltmp1:
0x18: {  	s18 =	smov.u32 s13;
	_ =	swait.ge @!p1 [sflag:s25], $0x4000;
	(pc) =	sbr.rel @!p2 .LBB1_8-.Ltmp1, $4  }
0x19: {  	s19 =	smov.u32 s14;
	p0 =	por !p0, !p0;
	[sflag:s25] =	ssyncset.done @!p1 $0x0  }
0x1a: {  	s12 =	smov.u32 s21;
	s22 =	smov.u32 @p3 s2;
	[sflag:s25] =	ssyncadd.s32 @!p1 $0xFFFFC000  }
0x1b: {  	s13 =	smov.u32 s22;
	s23 =	simm.s32 @p4 $0x0;
	s17 =	smov.u32 s15  }
0x1c: {  	s14 =	smov.u32 s23;
	s16 =	sadd.s32 $0x1, s16;
	s15 =	smov.u32 s24  }
.LBB1_1:
0x1d: {  	p1 =	sge.u32 s16, s6  }
0x1e: {  	s21 =	sshrl.u32 @!p1 s13, $0x3  }
0x1f: {  	s22 =	sshll.u32 @!p1 s12, $0x3;
	s21 =	smul.u32 @!p1 $0xC00, s21  }
0x20: {  	s23 =	sshll.u32 @!p1 s13, $0x7;
	s22 =	sand.u32 @!p1 $0xFFFFFC00, s22  }
0x21: {  	s21 =	sadd.s32 @!p1 s21, s22;
	s22 =	sand.u32 @!p1 $0x380, s23  }
0x22: {  	s23 =	sand.u32 @!p1 $0x7F, s12;
	s21 =	sor.u32 @!p1 s22, s21  }
0x23: {  	s22 =	sor.u32 @!p1 s23, s21;
	s21 =	smulhi.u32 @!p1 $0xAAAAAAAB, s21;
	_ =	sdelay $0x1  }
0x24: {  	s23 =	smulhi.u32 @!p1 $0xAAAAAAAB, s22;
	s21 =	sshrl.u32 @!p1 s21, $0x8  }
0x25: {  	s24 =	smulhi.u32 @!p1 $0xAAAAAB, s21  }
0x26: {  	s26 =	smul.u32 @!p1 $0xD800, s15  }
0x27: {  	s23 =	sshrl.u32 @!p1 s23, $0x8;
	s24 =	smul.u32 @!p1 $0x180, s24  }
0x28: {  	s31 =	sadd.s32 $0xFFFFFFFF, s16;
	s25 =	sxor.u32 @!p1 $0xFFFFFFFF, s16;
	s23 =	smul.u32 @!p1 $0x180, s23  }
0x29: {  	s25 =	sshll.u32 @!p1 s25, $0xE;
	s21 =	ssub.s32 @!p1 s21, s24;
	s24 =	smul.u32 @!p1 $0x4800, s14  }
0x2a: {  	s22 =	ssub.s32 @!p1 s22, s23;
	s23 =	sadd.s32 @!p1 s3, s26;
	s21 =	smul.u32 @!p1 $0x30, s21  }
0x2b: {  	s25 =	sand.u32 @!p1 $0x4000, s25;
	s23 =	sadd.s32 @!p1 s24, s23;
	s24 =	sand.u32 @!p1 $0x7, s22  }
0x2c: {  	s22 =	sshrl.u32 @!p1 s22, $0x3;
	s21 =	sadd.s32 @!p1 s21, s23;
	s23 =	sshll.u32 @!p1 s24, $0x12  }
0x2d: {  	s21 =	sadd.s32 @!p1 s22, s21;
	s22 =	sor.u32 @!p1 $0x200, s23;
	s23 =	simm.s32 @!p1 $0x6C000  }
0x2e: {  	[tilespmem:s25], [sflag:$0x1] =	stream.strided.gather @!p1 [hbm4b:s21+s22], $0x4000, s23, s22, $0x38;
	[tilespmem:$0x10400] =	vst v63  }
0x2f: {  	p1 =	sge.u32 s31, s6  }
.Ltmp2:
0x30: {  	_ = 	snop;
	(pc) =	sbr.rel @p1 .LBB1_7-.Ltmp2, $1  }
0x31: {  	_ =	sdelay $0x3  }
0x32: {  	s21 =	simm.s32 $0x1;
	s23 =	sand.u32 $0x1, s16  }
0x33: {  	_ =	swait.ge [sflag:s5], $0x4000;
	s21 =	simm.s32 @!p0 $0x0;
	s25 =	smul.u32 $0x10800, s23  }
0x34: {  	[sflag:s5] =	ssyncset.done $0x0;
	s22 =	smul.u32 $0x10800, s21  }
0x35: {  	s21 =	sshll.u32 s21, $0xE;
	[sflag:s5] =	ssyncadd.s32 $0xFFFFC000  }
0x36: {  	s24 =	sor.u32 $0x40, s21;
	s21 =	sshrl.u32 s25, $0x2;
	s22 =	sshrl.u32 s22, $0x2  }
0x37: {  	s25 =	simm.s32 $0x0;
	s23 =	sor.u32 $0x8000, s22;
	s22 =	sor.u32 $0x8000, s21  }
.LBB1_3:
0x38: {  	v0 =	vld [tilespmem:s24+$0x30]  }
0x39: {  	v1 =	vld [tilespmem:s24+$0xFFFFFFD0]  }
0x3a: {  	v5 =	vld [tilespmem:s24+$0xFFFFFFE0]  }
0x3b: {  	v6 =	vld [tilespmem:s24+$0xFFFFFFF0]  }
0x3c: {  	s26 =	sadd.s32 $0x0, s23;
	v2 =	vld [tilespmem:s24+$0x0]  }
0x3d: {  	v3 =	vld [tilespmem:s24+$0x10];
	[tilespmem:s26+$0xE70 ss:$0x21] =	vst.msk $0xffff, v0  }
0x3e: {  	v4 =	vld [tilespmem:s24+$0x20];
	[tilespmem:s26+$0x210 ss:$0x21] =	vst.msk $0xffff, v1  }
0x3f: {  	s27 =	sadd.s32 $0x80, s24;
	v0 =	vld [tilespmem:s24+$0xFFFFFFC0];
	[tilespmem:s26+$0x420 ss:$0x21] =	vst.msk $0xffff, v5  }
0x40: {  	s28 =	simm.s32 $0x4200;
	s29 =	simm.s32 $0x8400;
	v1 =	vld [tilespmem:s27+$0x30];
	[tilespmem:s26+$0x630 ss:$0x21] =	vst.msk $0xffff, v6  }
.LBB1_4:
0x41: {  	p1 =	sne.s32 s29, $0xC600;
	v5 =	vld [tilespmem:s27+$0xFFFFFFD0];
	[tilespmem:s26+$0x840 ss:$0x21] =	vst.msk $0xffff, v2  }
0x42: {  	v6 =	vld [tilespmem:s27+$0xFFFFFFE0];
	[tilespmem:s26+$0xA50 ss:$0x21] =	vst.msk $0xffff, v3  }
0x43: {  	s30 =	sshra.s32 s28, $0x2;
	s28 =	smov.u32 s29;
	v7 =	vld [tilespmem:s27+$0xFFFFFFF0];
	[tilespmem:s26+$0xC60 ss:$0x21] =	vst.msk $0xffff, v4  }
.Ltmp3:
0x44: {  	v2 =	vld [tilespmem:s27+$0x0];
	[tilespmem:s26+$0x0 ss:$0x21] =	vst.msk $0xffff, v0;
	s26 =	sadd.s32 s30, s23;
	(pc) =	sbr.rel @p1 .LBB1_4-.Ltmp3, $4  }
0x45: {  	v3 =	vld [tilespmem:s27+$0x10];
	[tilespmem:s26+$0xE70 ss:$0x21] =	vst.msk $0xffff, v1  }
0x46: {  	[tilespmem:s26+$0x210 ss:$0x21] =	vst.msk $0xffff, v5;
	v4 =	vld [tilespmem:s27+$0x20]  }
0x47: {  	v0 =	vld [tilespmem:s27+$0xFFFFFFC0];
	[tilespmem:s26+$0x420 ss:$0x21] =	vst.msk $0xffff, v6;
	s27 =	sadd.s32 $0x80, s27  }
0x48: {  	s29 =	sadd.s32 $0x4200, s29;
	v1 =	vld [tilespmem:s27+$0x30];
	[tilespmem:s26+$0x630 ss:$0x21] =	vst.msk $0xffff, v7  }
0x49: {  	v5 =	vld [tilespmem:s27+$0xFFFFFFD0];
	[tilespmem:s26+$0x840 ss:$0x21] =	vst.msk $0xffff, v2  }
0x4a: {  	v58 =	vld [tilespmem:s27+$0xFFFFFFE0];
	[tilespmem:s26+$0xA50 ss:$0x21] =	vst.msk $0xffff, v3  }
0x4b: {  	s28 =	sshra.s32 s28, $0x2;
	v59 =	vld [tilespmem:s27+$0xFFFFFFF0];
	[tilespmem:s26+$0xC60 ss:$0x21] =	vst.msk $0xffff, v4  }
0x4c: {  	v60 =	vld [tilespmem:s27+$0x0];
	s28 =	sadd.s32 s28, s23;
	[tilespmem:s26+$0x0 ss:$0x21] =	vst.msk $0xffff, v0  }
0x4d: {  	v61 =	vld [tilespmem:s27+$0x10];
	[tilespmem:s28+$0xE70 ss:$0x21] =	vst.msk $0xffff, v1  }
0x4e: {  	v62 =	vld [tilespmem:s27+$0x20];
	s25 =	sadd.s32 $0x1, s25;
	[tilespmem:s28+$0x210 ss:$0x21] =	vst.msk $0xffff, v5  }
0x4f: {  	v63 =	vld [tilespmem:s27+$0xFFFFFFC0];
	p1 =	sne.s32 s25, $0x20;
	[tilespmem:s28+$0x420 ss:$0x21] =	vst.msk $0xffff, v58  }
.Ltmp4:
0x50: {  	[tilespmem:s28+$0x630 ss:$0x21] =	vst.msk $0xffff, v59;
	(pc) =	sbr.rel @p1 .LBB1_3-.Ltmp4, $4  }
0x51: {  	[tilespmem:s28+$0x840 ss:$0x21] =	vst.msk $0xffff, v60  }
0x52: {  	[tilespmem:s28+$0xA50 ss:$0x21] =	vst.msk $0xffff, v61  }
0x53: {  	[tilespmem:s28+$0xC60 ss:$0x21] =	vst.msk $0xffff, v62  }
0x54: {  	s24 =	sadd.s32 $0x200, s24;
	s23 =	sadd.s32 $0x1, s23;
	[tilespmem:s28+$0x0 ss:$0x21] =	vst.msk $0xffff, v63  }
0x55: {  	s20 =	sshll.u32 s20, $0x7;
	s23 =	sshll.u32 s17, $0x3  }
0x56: {  	s24 =	sand.u32 $0xFFFFFC00, s20;
	s23 =	sand.u32 $0xFFFFFC00, s23  }
0x57: {  	s20 =	sand.u32 $0x380, s20;
	s23 =	sadd.s32 s23, s24  }
0x58: {  	s20 =	sor.u32 s20, s23  }
0x59: {  	s19 =	smul.u32 $0x240000, s19;
	s20 =	sshrl.u32 s20, $0x7  }
0x5a: {  	s31 =	smulhi.u32 $0xAAAAAB, s20  }
0x5b: {  	s18 =	smul.u32 $0x1800, s18  }
0x5c: {  	s23 =	smul.u32 $0x180, s31  }
0x5d: {  	s26 =	sand.u32 $0x7, s17;
	s24 =	sshrl.u32 s17, $0x3;
	s25 =	sadd.s32 s19, s18  }
0x5e: {  	s20 =	ssub.s32 s20, s23;
	s23 =	sand.u32 $0xF, s24;
	s24 =	sadd.s32 s4, s25  }
0x5f: {  	s17 =	sshll.u32 s26, $0x12;
	s20 =	sshll.u32 s20, $0x4;
	s24 =	sadd.s32 s23, s24  }
0x60: {  	s27 =	sadd.s32 s19, s7;
	s17 =	sor.u32 $0x20, s17;
	s24 =	sadd.s32 s20, s24  }
0x61: {  	[hbm4b:s24+s17] =	stream.strided.scatter [tilespmem:s22], [sflag:$0x2], $0x1000, s11, s17, $0x10;
	[tilespmem:$0x10400] =	vst v63  }
0x62: {  	s22 =	sadd.s32 s23, s27  }
0x63: {  	s22 =	sadd.s32 s18, s22  }
0x64: {  	s28 =	sadd.s32 $0x9080, s21;
	s29 =	sadd.s32 s19, s8;
	s22 =	sadd.s32 s20, s22  }
0x65: {  	[hbm4b:s22+s17] =	stream.strided.scatter [tilespmem:s28], [sflag:$0x2], $0x1000, s11, s17, $0x10;
	[tilespmem:$0x10400] =	vst v63  }
0x66: {  	s19 =	sadd.s32 s19, s9;
	s22 =	sadd.s32 s23, s29  }
.Ltmp5:
0x67: {  	s19 =	sadd.s32 s23, s19;
	s22 =	sadd.s32 s18, s22;
	(pc) =	sbr.rel .LBB1_7-.Ltmp5, $4  }
0x68: {  	s30 =	sadd.s32 $0xA100, s21;
	s18 =	sadd.s32 s18, s19;
	s22 =	sadd.s32 s20, s22  }
0x69: {  	[hbm4b:s22+s17] =	stream.strided.scatter [tilespmem:s30], [sflag:$0x2], $0x1000, s11, s17, $0x10;
	[tilespmem:$0x10400] =	vst v63  }
0x6a: {  	s31 =	sadd.s32 $0xB180, s21;
	s18 =	sadd.s32 s20, s18  }
0x6b: {  	[hbm4b:s18+s17] =	stream.strided.scatter [tilespmem:s31], [sflag:$0x2], $0x1000, s11, s17, $0x10;
	[tilespmem:$0x10400] =	vst v63  }
.LBB1_8:
0x6c: {  	_ =	sfence.sel $0x180000  }
0x6d: {  	s2 =	simm.s32 $0x1;
	[bflag:$0x0] =	sbarrier.arrive $0xFFFF  }
0x6e: {  	s31 =	simm.s32 $0x2;
	[sflag:s2] =	ssyncpa.u1 $0x1  }
0x6f: {  	[sflag:s31] =	ssyncpa.u1 $0x1  }
0x70: {  	p0 =	sne.s32 s0, $0x0;
	_ =	strace $0x90000047  }
0x71: {  	s0 =	sadd.s32 @!p0 $0x100000, s1;
	[bflag:$0x2] =	sbarrier.arrive $0xFFFF  }
0x72: {  	[sflag:s0] =	ssyncadd.tile.s32 @!p0 $0x1;
	_ =	shalt  }
.Lfunc_end1:
_tile_overlayer_lowered:
.L_overlay_start_2:
0x73: {  	(tag) =	ssettag $0x2  }
0x74: {  	s0 =	rddreg [dreg:$0x0];
	s2 =	stileid.u32  }
0x75: {  	s1 =	rddreg [dreg:$0x1];
	p0 =	sne.s32 s2, $0x0  }
0x76: {  	s3 =	rddreg [dreg:$0x2];
	[bflag:$0x3] =	sbarrier.arrive $0xFFFF;
	s2 =	simm.s32 @!p0 $0x1C01  }
0x77: {  	[timem:s3], [sflag:s2] =	dma.local @!p0 [hbm:s0], s1  }
0x78: {  	s0 =	simm.s32 @!p0 $0x1  }
0x79: {  	_ =	swait.ge @!p0 [sflag:s0], s1  }
0x7a: {  	s1 =	ssub.s32 @!p0 $0x0, s1;
	[sflag:s0] =	ssyncset.done @!p0 $0x0  }
0x7b: {  	[sflag:s0] =	ssyncadd.s32 @!p0 s1  }
0x7c: {  	[bflag:$0x3] =	sbarrier.arrive $0xFFFF  }
0x7d: {  	_ =	shalt  }

// kernel: sparse-core-data-format-call.cloned.1.call-start
scs
called_computation_lowered:
.L_overlay_start_0:
0x0: {  	s1 =	sld [smem:$0x3FD9]  }
0x1: {  	s2 =	sld [smem:$0x3FFE];
	_ =	sdelay $0x1  }
0x2: {  	s3 =	srdreg.scid  }
0x3: {  	s0 =	sand.u32 $0x1, s3  }
0x4: {  	s17 =	sshll.u32 s0, $0xA;
	s1 =	sadd.s32 s2, s1  }
0x5: {  	s1 =	sadd.s32 s1, s17  }
0x6: {  	[smem:$0x3FBB] =	sst s1  }
0x7: {  	_ = 	snop  }
0x8: {  	(tm) =	ssettm $0x1  }
0x9: {  	s18 =	sld [smem:$0x3FFB];
	_ =	sdelay $0x3  }
0xa: {  	_ =	strace s18  }
0xb: {  	s1 =	sld [smem:$0x3FFC];
	_ =	sdelay $0x3  }
0xc: {  	_ =	strace s1  }
0xd: {  	s1 =	sld [smem:$0x3FFD];
	_ =	sdelay $0x3  }
0xe: {  	_ =	strace s1  }
0xf: {  	_ =	strace $0x8FFFFFFF  }
0x10: {  	s19 =	sld [smem:$0x3FDB];
	_ =	sdelay $0x1  }
0x11: {  	s20 =	simm.s32 $_scs_section_size  }
0x12: {  	s4 =	simm.s32 $_size__tile_overlayer_lowered;
	s5 =	simm.s32 $_tile_overlayer_lowered  }
0x13: {  	s23 =	simm.s32 $0x1BFF;
	s22 =	sshll.u32 s5, $0x1;
	s1 =	sadd.s32 s20, s19  }
0x14: {  	s6 =	simm.s32 $0x0;
	s21 =	sshll.u32 s4, $0x1;
	s4 =	sadd.s32 s22, s1  }
0x15: {  	[timem:s6], [sflag:s23] =	dma.local [hbm:s4], s21  }
0x16: {  	_ =	swait.ge [sflag:s23], s21  }
0x17: {  	s2 =	ssub.s32 $0x0, s21;
	[sflag:s23] =	ssyncset.done $0x0  }
0x18: {  	[sflag:s23] =	ssyncadd.s32 s2;
	_ =	sdelay $0x1  }
0x19: {  	s24 =	simm.s32 $0x1B8B  }
0x1a: {  	_ =	swait.ge [sflag:s24], $0x1  }
0x1b: {  	[sflag:s24] =	ssyncset.done $0x0  }
0x1c: {  	s26 =	simm.s32 $0x1B8E;
	s25 =	sld [smem:$0x3FFE];
	[sflag:s24] =	ssyncadd.s32 $0xFFFFFFFF  }
0x1d: {  	s27 =	simm.s32 $execute0_lowered;
	[smem:$0x3FD2] =	sst s26  }
0x1e: {  	s4 =	sshll.u32 s27, $0x1;
	_ =	strace $0x80000049;
	[dreg:$0x1] =	wrdreg $0xFFFFFFFF  }
0x1f: {  	s28 =	simm.s32 $_size_execute0_lowered;
	s1 =	sadd.s32 s1, s4;
	[dreg:$0x0] =	wrdreg $0x0  }
0x20: {  	s4 =	sshll.u32 s28, $0x1;
	[dreg:$0x2] =	wrdreg s1  }
0x21: {  	[dreg:$0x3] =	wrdreg s4  }
0x22: {  	[dreg:$0x4] =	wrdreg $0xC0  }
0x23: {  	_ =	task [dreg:s6], $0x5FFFF  }
0x24: {  	[dreg:$0x1] =	wrdreg $0xFFFFFFFF  }
0x25: {  	[dreg:$0x0] =	wrdreg $0x60  }
0x26: {  	[dreg:$0x2] =	wrdreg s25  }
0x27: {  	[dreg:$0x3] =	wrdreg $0x9  }
0x28: {  	_ =	task.clear_ibuf [dreg:s6], $0x4FFFF;
	_ =	strace $0x90000049  }
0x29: {  	s29 =	simm.s32 $0x9;
	_ =	strace $0x8000004B  }
0x2a: {  	_ =	swait.ge [sflag:s29], $0x1  }
0x2b: {  	[sflag:s29] =	ssyncadd.s32 $0xFFFFFFFF  }
0x2c: {  	_ =	strace $0x9000004B  }
0x2d: {  	_ =	sfence  }
0x2e: {  	s30 =	sld [smem:$0x0];
	_ =	sdelay $0x2  }
0x2f: {  	s31 =	sshll.u32 s3, $0xD;
	s3 =	sshrl.u32 s3, $0x2  }
0x30: {  	s2 =	sand.u32 $0x4000, s31;
	s1 =	sadd.s32 s3, s30  }
0x31: {  	s0 =	sor.u32 s2, s0;
	s1 =	sshll.u32 s1, $0x11  }
0x32: {  	s0 =	sor.u32 s1, s0  }
0x33: {  	s0 =	sadd.s32 $0x8F2B, s0  }
0x34: {  	[sflag:s0] =	ssyncadd.remote.s32 $0x1  }
0x35: {  	_ =	sfence.sel $0xFFFF  }
0x36: {  	[dreg:$0x0] =	wrdreg $0xFFFFFFFF;
	(pc) =	sbr.abs _section_cstart, $3  }
0x37: {  	[dreg:$0x1] =	wrdreg $0xFFFFFFFF  }
0x38: {  	_ =	task.clear_ibuf [dreg:s6], $0x2FFFF;
	_ =	strace $0x9FFFFFFF  }
0x39: {  	(tm) =	ssettm $0x7FFFFFFF  }
tec
execute0_lowered:
.L_overlay_start_1:
0x0: {  	(tag) =	ssettag $0x1  }
0x1: {  	s1 =	rddreg [dreg:$0x0]  }
0x2: {  	s0 =	rddreg [dreg:$0x1];
	_ =	strace $0x8000004A  }
0x3: {  	s4 =	srdreg.scid;
	s6 =	simm.s32 $0x2;
	s16 =	simm.s32 $0x0  }
0x4: {  	p0 =	por $0x0, $0x0;
	s7 =	simm.s32 $0x200;
	s8 =	simm.s32 $0x90000  }
0x5: {  	s15 =	simm.s32 $0x0;
	s17 =	simm.s32 $0x0;
	s19 =	simm.s32 $0x0  }
0x6: {  	s18 =	simm.s32 $0x0;
	s10 =	simm.s32 $0x0;
	s11 =	simm.s32 $0x0  }
.Ltmp0:
0x7: {  	s12 =	simm.s32 $0x0;
	s14 =	simm.s32 $0x0;
	(pc) =	sbr.rel .LBB1_1-.Ltmp0, $4  }
0x8: {  	s2 =	sadd.s32 $0x1B1E00, s1;
	s3 =	sadd.s32 $0x871E00, s1;
	s4 =	sshll.u32 s4, $0x4  }
0x9: {  	s1 =	stileid.u32;
	s5 =	sand.u32 $0x10, s4;
	s4 =	simm.s32 $0x1  }
0xa: {  	s9 =	simm.s32 $0x0;
	s5 =	sor.u32 s1, s5;
	[sflag:s4] =	ssyncpa.u1 $0x0  }
0xb: {  	[sflag:s6] =	ssyncpa.u1 $0x0;
	s6 =	simm.s32 $0x20;
	s13 =	smov.u32 s5  }
.LBB1_3:
0xc: {  	p1 =	seq.s32 s9, $0x0  }
0xd: {  	p2 =	seq.s32 @!p1 s9, $0x91  }
0xe: {  	p1 =	por p1, p2  }
.Ltmp1:
0xf: {  	_ = 	snop;
	(pc) =	sbr.rel @!p1 .LBB1_4-.Ltmp1, $1  }
0x10: {  	_ =	sdelay $0x3  }
.LBB1_7:
0x11: {  	s20 =	sadd.s32 $0x1, s10  }
0x12: {  	s15 =	sadd.s32 $0x80, s11;
	s21 =	smov.u32 s11;
	p2 =	sgt.s32 s20, $0x3  }
0x13: {  	s21 =	smov.u32 @p2 s15  }
0x14: {  	s15 =	simm.s32 $0x1;
	p3 =	sgt.s32 s21, $0x5F  }
0x15: {  	s15 =	simm.s32 @!p3 $0x0  }
0x16: {  	s22 =	sadd.s32 s15, s12  }
0x17: {  	s23 =	smov.u32 s13;
	s15 =	sadd.s32 $0x20, s13;
	p4 =	sgt.s32 s22, $0x3  }
0x18: {  	s23 =	smov.u32 @p4 s15  }
0x19: {  	s20 =	simm.s32 @p2 $0x0;
	s15 =	simm.s32 $0x1;
	p2 =	sgt.s32 s23, $0x5F  }
0x1a: {  	p1 =	slt.u32 s9, $0x2;
	s15 =	simm.s32 @!p2 $0x0  }
0x1b: {  	s9 =	sadd.s32 $0x1, s9;
	s16 =	smov.u32 s10;
	s25 =	sadd.s32 s15, s14  }
0x1c: {  	s17 =	smov.u32 s12;
	s23 =	smov.u32 @p2 s5;
	p2 =	sgt.s32 s25, $0x2  }
0x1d: {  	s24 =	simm.s32 @!p1 $0x2;
	s25 =	simm.s32 @p2 $0x0;
	p2 =	sne.s32 s9, $0x92  }
.Ltmp2:
0x1e: {  	s19 =	smov.u32 s13;
	_ =	swait.ge @!p1 [sflag:s24], $0x1000;
	(pc) =	sbr.rel @!p2 .LBB1_8-.Ltmp2, $4  }
0x1f: {  	s18 =	smov.u32 s14;
	p0 =	por !p0, !p0;
	[sflag:s24] =	ssyncset.done @!p1 $0x0  }
0x20: {  	s10 =	smov.u32 s20;
	s21 =	simm.s32 @p3 $0x0;
	s22 =	simm.s32 @p4 $0x0  }
0x21: {  	[sflag:s24] =	ssyncadd.s32 @!p1 $0xFFFFF000;
	s12 =	smov.u32 s22;
	s15 =	smov.u32 s11  }
0x22: {  	s11 =	smov.u32 s21;
	s13 =	smov.u32 s23;
	s14 =	smov.u32 s25  }
.LBB1_1:
0x23: {  	p1 =	sgt.u32 s9, $0x8F  }
.Ltmp3:
0x24: {  	_ = 	snop;
	(pc) =	sbr.rel @p1 .LBB1_3-.Ltmp3, $1  }
0x25: {  	_ =	sdelay $0x3  }
0x26: {  	p1 =	sgt.s32 s14, $0x2;
	s20 =	smov.u32 s14  }
0x27: {  	s21 =	sshra.s32 s14, $0x1F;
	s22 =	sshra.s32 s13, $0x1F;
	s23 =	sshra.s32 s12, $0x1F  }
0x28: {  	s25 =	sshra.s32 s11, $0x1F;
	s28 =	sshra.s32 s10, $0x1F;
	s31 =	smul.u32 $0x240000, s14  }
0x29: {  	s26 =	sxor.u32 $0xFFFFFFFF, s9;
	s20 =	simm.s32 @!p1 $0x2;
	s21 =	sand.u32 s21, s14  }
0x2a: {  	p1 =	sgt.s32 s13, $0x5F;
	s22 =	sand.u32 s22, s13;
	s23 =	sand.u32 s23, s12  }
0x2b: {  	s25 =	sand.u32 s25, s11;
	s20 =	ssub.s32 s20, s21;
	s21 =	smov.u32 s13  }
0x2c: {  	s29 =	sand.u32 s28, s10;
	s28 =	sshll.u32 s11, $0x6;
	s21 =	simm.s32 @!p1 $0x5F  }
0x2d: {  	s20 =	sadd.s32 $0xFFFFFFFE, s20;
	p1 =	sgt.s32 s12, $0x3;
	s21 =	ssub.s32 s21, s22  }
0x2e: {  	s22 =	smov.u32 s12;
	p2 =	sgt.s32 s20, $0x0;
	s20 =	sshll.u32 s20, $0x5  }
0x2f: {  	s24 =	sadd.s32 $0xFFFFFFA1, s21;
	s22 =	simm.s32 @!p1 $0x3;
	s21 =	ssub.s32 $0x60, s21  }
0x30: {  	s20 =	ssub.s32 $0x20, s20;
	p1 =	sgt.s32 s24, $0x0;
	s22 =	ssub.s32 s22, s23  }
0x31: {  	s24 =	smov.u32 s11;
	s20 =	simm.s32 @p2 $0x0;
	p2 =	sgt.s32 s10, $0x3  }
0x32: {  	s21 =	simm.s32 @p1 $0x0;
	s23 =	sadd.s32 $0xFFFFFFFD, s22;
	p1 =	sgt.s32 s11, $0xFFFFFFE0  }
0x33: {  	s22 =	ssub.s32 $0x4, s22;
	s24 =	simm.s32 @!p1 $0xFFFFFFE0;
	p1 =	sgt.s32 s23, $0x0  }
0x34: {  	s20 =	smul.u32 s21, s20;
	s23 =	smov.u32 s10;
	s27 =	ssub.s32 s24, s25  }
0x35: {  	s22 =	simm.s32 @p1 $0x0;
	s23 =	simm.s32 @!p2 $0x3;
	s25 =	smul.u32 $0x1800, s12  }
0x36: {  	s24 =	sadd.s32 $0x20, s27;
	s21 =	ssub.s32 $0x60, s27;
	s20 =	smul.u32 s22, s20  }
0x37: {  	s22 =	ssub.s32 s23, s29;
	s23 =	sadd.s32 s2, s31;
	p1 =	sgt.s32 s24, $0x7F  }
0x38: {  	s30 =	sadd.s32 $0xFFFFFFFD, s22;
	s24 =	smul.u32 $0x6000, s13;
	s21 =	simm.s32 @p1 $0x0  }
0x39: {  	p1 =	sgt.s32 s30, $0x0;
	s20 =	smul.u32 s21, s20;
	s21 =	ssub.s32 $0x4, s22  }
.Ltmp4:
0x3a: {  	s27 =	sadd.s32 s24, s23;
	s21 =	simm.s32 @p1 $0x0;
	(pc) =	sbr.rel .LBB1_3-.Ltmp4, $4  }
0x3b: {  	s29 =	sshll.u32 s10, $0x4;
	s20 =	smul.u32 s21, s20;
	s21 =	sadd.s32 s25, s27  }
0x3c: {  	s30 =	sshll.u32 s26, $0xC;
	s23 =	sand.u32 $0x30, s29;
	s21 =	sadd.s32 s28, s21  }
0x3d: {  	s31 =	sand.u32 $0x1000, s30;
	s20 =	sand.u32 $0x3FFFFFE0, s20;
	s21 =	sadd.s32 s23, s21  }
0x3e: {  	[tilespmem:s31], [sflag:$0x1] =	stream.strided.gather [hbm4b:s21+s6], s20, s7, s6, $0x38;
	[tilespmem:$0x4040] =	vst v63  }
.LBB1_4:
0x3f: {  	p1 =	sgt.s32 s18, $0x2;
	s20 =	smov.u32 s18;
	s21 =	sshra.s32 s18, $0x1F  }
0x40: {  	s22 =	sshra.s32 s19, $0x1F;
	p2 =	sgt.s32 s17, $0x3;
	s24 =	sshra.s32 s17, $0x1F  }
0x41: {  	s25 =	sshra.s32 s15, $0x1F;
	s26 =	sshra.s32 s16, $0x1F;
	s20 =	simm.s32 @!p1 $0x2  }
0x42: {  	s21 =	sand.u32 s21, s18;
	p1 =	sgt.s32 s19, $0x5F;
	s22 =	sand.u32 s22, s19  }
0x43: {  	s29 =	sand.u32 s24, s17;
	s20 =	ssub.s32 s20, s21;
	s21 =	smov.u32 s19  }
0x44: {  	s31 =	sand.u32 s25, s15;
	s20 =	sadd.s32 $0xFFFFFFFE, s20;
	s21 =	simm.s32 @!p1 $0x5F  }
0x45: {  	s25 =	smov.u32 s16;
	p1 =	sgt.s32 s20, $0x0;
	s21 =	ssub.s32 s21, s22  }
0x46: {  	s22 =	smov.u32 s17;
	s20 =	sshll.u32 s20, $0x5;
	s23 =	sadd.s32 $0xFFFFFFA1, s21  }
0x47: {  	s22 =	simm.s32 @!p2 $0x3;
	s21 =	ssub.s32 $0x60, s21;
	s20 =	ssub.s32 $0x20, s20  }
0x48: {  	p2 =	sgt.s32 s23, $0x0;
	s22 =	ssub.s32 s22, s29;
	s23 =	smov.u32 s15  }
0x49: {  	s20 =	simm.s32 @p1 $0x0;
	s21 =	simm.s32 @p2 $0x0;
	p2 =	sgt.s32 s15, $0xFFFFFFE0  }
0x4a: {  	p1 =	sgt.s32 s16, $0x3;
	s30 =	sadd.s32 $0xFFFFFFFD, s22;
	s23 =	simm.s32 @!p2 $0xFFFFFFE0  }
0x4b: {  	s22 =	ssub.s32 $0x4, s22;
	s25 =	simm.s32 @!p1 $0x3;
	s23 =	ssub.s32 s23, s31  }
0x4c: {  	p2 =	sgt.s32 s30, $0x0;
	s20 =	smul.u32 s21, s20;
	s24 =	sadd.s32 $0x20, s23  }
0x4d: {  	s22 =	simm.s32 @p2 $0x0;
	p2 =	sgt.s32 s24, $0x7F;
	s24 =	sand.u32 s26, s16  }
0x4e: {  	s23 =	ssub.s32 $0x60, s23;
	s20 =	smul.u32 s22, s20;
	s21 =	ssub.s32 s25, s24  }
0x4f: {  	s23 =	simm.s32 @p2 $0x0;
	s26 =	sadd.s32 $0xFFFFFFFD, s21  }
0x50: {  	s21 =	ssub.s32 $0x4, s21;
	s20 =	smul.u32 s23, s20;
	p1 =	sgt.s32 s26, $0x0  }
0x51: {  	s21 =	simm.s32 @p1 $0x0  }
0x52: {  	s20 =	smul.u32 s21, s20;
	_ =	sdelay $0x1  }
0x53: {  	s21 =	simm.s32 $0x1;
	s20 =	sand.u32 $0x3FFFFFE0, s20  }
0x54: {  	s21 =	simm.s32 @!p0 $0x0;
	_ =	swait.ge [sflag:s4], s20  }
0x55: {  	s27 =	sshll.u32 s21, $0xC;
	s20 =	ssub.s32 $0x0, s20;
	[sflag:s4] =	ssyncset.done $0x0  }
0x56: {  	s28 =	sor.u32 $0x10, s27;
	[sflag:s4] =	ssyncadd.s32 s20  }
0x57: {  	s29 =	smul.u32 $0x4080, s21;
	v1 =	vld [tilespmem:s28+$0x0]  }
0x58: {  	s30 =	sand.u32 $0x1, s9;
	v0 =	vld [tilespmem:s28+$0xFFFFFFF0]  }
0x59: {  	s21 =	smul.u32 $0x4080, s30;
	s20 =	sshrl.u32 s29, $0x2  }
0x5a: {  	s22 =	sor.u32 $0x2000, s20  }
0x5b: {  	s31 =	sshrl.u32 s21, $0x2;
	s21 =	sadd.s32 $0x0, s22  }
0x5c: {  	s23 =	simm.s32 $0x4;
	s24 =	sadd.s32 $0x20, s28;
	s20 =	sor.u32 $0x2000, s31;
	[tilespmem:s21+$0x810 ss:$0x81] =	vst.msk $0xffff, v1  }
.LBB1_5:
0x5d: {  	v1 =	vld [tilespmem:s24+$0x0];
	p1 =	sne.s32 s23, $0x1FC;
	[tilespmem:s21+$0x0 ss:$0x81] =	vst.msk $0xffff, v0;
	s21 =	smov.u32 s23;
	s23 =	sadd.s32 $0x4, s23  }
.Ltmp5:
0x5e: {  	v0 =	vld [tilespmem:s24+$0xFFFFFFF0];
	(pc) =	sbr.rel @p1 .LBB1_5-.Ltmp5, $4  }
0x5f: {  	_ = 	snop  }
0x60: {  	s21 =	sshra.s32 s21, $0x2  }
0x61: {  	s21 =	sadd.s32 s21, s22  }
0x62: {  	s24 =	sadd.s32 $0x20, s24;
	[tilespmem:s21+$0x810 ss:$0x81] =	vst.msk $0xffff, v1  }
0x63: {  	s19 =	sshll.u32 s19, $0x7;
	s22 =	sshll.u32 s15, $0x3  }
0x64: {  	s23 =	sand.u32 $0xFFFFFC00, s19;
	s22 =	sand.u32 $0xFFFFFC00, s22  }
0x65: {  	s19 =	sand.u32 $0x380, s19;
	s22 =	sadd.s32 s23, s22  }
0x66: {  	s18 =	smul.u32 $0x6000, s18;
	s19 =	sor.u32 s19, s22  }
0x67: {  	s17 =	smul.u32 $0x1800, s17;
	s19 =	sshrl.u32 s19, $0x7  }
0x68: {  	s27 =	smulhi.u32 $0x2AAAAAB, s19  }
0x69: {  	s16 =	smul.u32 $0x600, s16  }
0x6a: {  	s28 =	sshrl.u32 s15, $0x3;
	s18 =	sadd.s32 s3, s18;
	s22 =	smul.u32 $0x60, s27  }
.Ltmp6:
0x6b: {  	s30 =	sand.u32 $0x7, s15;
	s17 =	sadd.s32 s17, s18;
	(pc) =	sbr.rel .LBB1_7-.Ltmp6, $4  }
0x6c: {  	s29 =	sand.u32 $0xF, s28;
	s16 =	sadd.s32 s16, s17;
	s19 =	ssub.s32 s19, s22  }
0x6d: {  	s15 =	sshll.u32 s30, $0x12;
	s16 =	sadd.s32 s29, s16;
	s31 =	sshll.u32 s19, $0x4  }
0x6e: {  	[tilespmem:s21+$0x0 ss:$0x81] =	vst.msk $0xffff, v0;
	s15 =	sor.u32 $0x80, s15;
	s16 =	sadd.s32 s31, s16  }
0x6f: {  	[hbm4b:s16+s15] =	stream.strided.scatter [tilespmem:s20], [sflag:$0x2], $0x1000, s8, s15, $0x20;
	[tilespmem:$0x4040] =	vst v63  }
.LBB1_8:
0x70: {  	_ =	sfence.sel $0x180000  }
0x71: {  	s2 =	simm.s32 $0x1;
	[bflag:$0x0] =	sbarrier.arrive $0xFFFF  }
0x72: {  	s31 =	simm.s32 $0x2;
	[sflag:s2] =	ssyncpa.u1 $0x1  }
0x73: {  	[sflag:s31] =	ssyncpa.u1 $0x1  }
0x74: {  	p0 =	sne.s32 s1, $0x0;
	_ =	strace $0x9000004A  }
0x75: {  	s0 =	sadd.s32 @!p0 $0x100000, s0;
	[bflag:$0x2] =	sbarrier.arrive $0xFFFF  }
0x76: {  	[sflag:s0] =	ssyncadd.tile.s32 @!p0 $0x1;
	_ =	shalt  }
.Lfunc_end1:
_tile_overlayer_lowered:
.L_overlay_start_2:
0x77: {  	(tag) =	ssettag $0x2  }
0x78: {  	s0 =	rddreg [dreg:$0x0];
	s2 =	stileid.u32  }
0x79: {  	s1 =	rddreg [dreg:$0x1];
	p0 =	sne.s32 s2, $0x0  }
0x7a: {  	s3 =	rddreg [dreg:$0x2];
	[bflag:$0x3] =	sbarrier.arrive $0xFFFF;
	s2 =	simm.s32 @!p0 $0x1C01  }
0x7b: {  	[timem:s3], [sflag:s2] =	dma.local @!p0 [hbm:s0], s1  }
0x7c: {  	s0 =	simm.s32 @!p0 $0x1  }
0x7d: {  	_ =	swait.ge @!p0 [sflag:s0], s1  }
0x7e: {  	s1 =	ssub.s32 @!p0 $0x0, s1;
	[sflag:s0] =	ssyncset.done @!p0 $0x0  }
0x7f: {  	[sflag:s0] =	ssyncadd.s32 @!p0 s1  }
0x80: {  	[bflag:$0x3] =	sbarrier.arrive $0xFFFF  }
0x81: {  	_ =	shalt  }

</sc_bundles>
